<compile_context>
chip_gen: v7x
topology: tpu7x:2x2x1
jax: 0.10.2.dev20260603
libtpu: 0.0.44.dev20260713+nightly
codegen_flags: <defaults>
</compile_context>

<pallas_src>
import functools

import jax
import jax.numpy as jnp
from jax import lax
from jax.experimental import pallas as pl
from jax.experimental.pallas import tpu as pltpu
from jax.experimental.pallas import tpu_sc as plsc

_K = 8192
_D = 64
_N = 16 * 576
_BETA = 0.25

_TB = 512
_NB = _N // _TB

_NC = 2
_NS = 16
_NW = _NC * _NS
_BPW = _N // _NW
_CH = 3
_CW = _BPW // _CH


def _dist_argmin_body(z_ref, emb_ref, codes_ref, loss_ref):
    i = pl.program_id(0)
    z = z_ref[...]
    emb = emb_ref[...]
    z_sq = jnp.sum(z * z, axis=1, keepdims=True)
    e_sq = jnp.sum(emb * emb, axis=1)[None, :]
    dot = lax.dot_general(z.astype(jnp.bfloat16), emb.astype(jnp.bfloat16),
                          (((1,), (1,)), ((), ())),
                          preferred_element_type=jnp.float32)
    dist = z_sq - 2.0 * dot + e_sq
    q = _K // 4
    run_v = run_i = run_true = None
    for c in range(4):
        seg = dist[:, c * q:(c + 1) * q]
        m = jnp.min(seg, axis=1)
        a = jnp.argmin(seg, axis=1).astype(jnp.int32) + jnp.int32(c * q)
        if c == 0:
            run_v = m.astype(jnp.bfloat16).astype(jnp.float32)
            run_i, run_true = a, m
        else:
            take = m < run_v
            run_i = jnp.where(take, a, run_i)
            run_true = jnp.where(take, m, run_true)
            run_v = jnp.where(take, m.astype(jnp.bfloat16).astype(jnp.float32),
                              run_v)
    codes_ref[...] = run_i
    partial = jnp.sum(run_true)

    @pl.when(i == 0)
    def _init():
        loss_ref[0] = 0.0

    loss_ref[0] += partial

    @pl.when(i == _NB - 1)
    def _fin():
        loss_ref[0] = loss_ref[0] * (_BETA / (_N * _D))


def _tc_codes_and_loss(z2d, emb):
    codes, loss = pl.pallas_call(
        _dist_argmin_body,
        grid=(_NB,),
        in_specs=[
            pl.BlockSpec((_TB, _D), lambda i: (i, 0)),
            pl.BlockSpec((_K, _D), lambda i: (0, 0)),
        ],
        out_specs=[
            pl.BlockSpec((_TB,), lambda i: (i,)),
            pl.BlockSpec(memory_space=pltpu.SMEM, block_shape=(1,),
                         index_map=lambda i: (0,)),
        ],
        out_shape=[
            jax.ShapeDtypeStruct((_N,), jnp.int32),
            jax.ShapeDtypeStruct((1,), jnp.float32),
        ],
    )(z2d, emb)
    return codes, loss[0]


def _sc_gather(emb, idx3d):
    mesh = plsc.VectorSubcoreMesh(core_axis_name="c", subcore_axis_name="s")

    @functools.partial(
        pl.kernel,
        mesh=mesh,
        out_type=jax.ShapeDtypeStruct((_N, _D), jnp.float32),
        scratch_types=[
            pltpu.VMEM((_CH, _CW), jnp.int32),
            pltpu.VMEM((_BPW, _D), jnp.float32),
            pltpu.SemaphoreType.DMA,
        ],
        compiler_params=pltpu.CompilerParams(use_tc_tiling_on_sc=False),
    )
    def gather_kernel(table_hbm, idx_hbm, out_hbm, idx_v, rows_v, sem):
        wid = lax.axis_index("s") * _NC + lax.axis_index("c")
        base = wid * _BPW
        pltpu.sync_copy(idx_hbm.at[wid], idx_v)
        copies = [
            pltpu.async_copy(table_hbm.at[idx_v.at[j]],
                             rows_v.at[pl.ds(j * _CW, _CW)], sem)
            for j in range(_CH)
        ]
        for c in copies:
            c.wait()
        pltpu.sync_copy(rows_v, out_hbm.at[pl.ds(base, _BPW)])

    return gather_kernel(emb, idx3d)


def kernel(z_e, embedding):
    orig_shape = z_e.shape
    z2d = z_e.reshape(-1, orig_shape[-1])
    codes, vq_loss = _tc_codes_and_loss(z2d, embedding)
    z_q = _sc_gather(embedding, codes.reshape(_NW, _CH, _CW))
    z_q_st = z_q.reshape(orig_shape)
    codes_out = codes.reshape(orig_shape[:-1])
    return (z_q_st, vq_loss, codes_out)

# --- scband reference (transcript-rebuilt; emitter-appended) ---
"""Pipeline reference for scband-vector-quantizer-ema-40192303956461 (READ-ONLY COPY).

The authoritative reference and input builder live on the scoring server;
editing this copy changes nothing except your own understanding.
"""

import jax, jax.numpy as jnp
import numpy as np

K = 8192
D = 64
BETA = 0.25

def setup_inputs(seed: int = 0) -> dict:
    key = jax.random.key(seed)
    k1, k2 = jax.random.split(key)
    z_e = jax.random.normal(k1, (16, 576, 64), dtype=jnp.float32)
    emb = jax.random.normal(k2, (K, D), dtype=jnp.float32)
    emb = emb / jnp.sqrt(jnp.sum(emb ** 2, axis=1, keepdims=True) + 1e-12)
    return {"z_e": z_e, "embedding": emb}

def reference(z_e, embedding):
    orig_shape = z_e.shape
    z = z_e.reshape(-1, orig_shape[-1])
    z_sq = jnp.sum(z ** 2, axis=1, keepdims=True)
    e_sq = jnp.sum(embedding ** 2, axis=1)[None, :]
    dist = z_sq - 2.0 * (z @ embedding.T) + e_sq
    codes = jnp.argmin(dist, axis=1)
    z_q = jnp.take(embedding, codes, axis=0).reshape(orig_shape)
    commit_loss = jnp.mean((z_e - jax.lax.stop_gradient(z_q)) ** 2)
    vq_loss = BETA * commit_loss
    z_q_st = z_e + jax.lax.stop_gradient(z_q - z_e)
    codes_out = codes.reshape(orig_shape[:-1])
    return (z_q_st, vq_loss, codes_out)

if __name__ == "__main__":
    import jax
    _d = setup_inputs()
    print(jax.jit(kernel)(*tuple(_d.values())))

</pallas_src>

<mosaic_0001>
#map = affine_map<(d0, d1) -> (0, 0)>
#map1 = affine_map<(d0, d1) -> (0, 0, 0)>
module attributes {stable_mosaic.version = 14 : i64} {
  func.func @gather_kernel(%arg0: i32, %arg1: i32, %arg2: memref<8192x64xf32, #tpu.memory_space<hbm>>, %arg3: memref<32x3x96xi32, #tpu.memory_space<hbm>>, %arg4: memref<9216x64xf32, #tpu.memory_space<hbm>>, %arg5: memref<3x96xi32, #tpu.memory_space<vmem>>, %arg6: memref<288x64xf32, #tpu.memory_space<vmem>>, %arg7: memref<!tpu.dma_semaphore, #tpu.memory_space<semaphore_mem>>) attributes {dimension_semantics = [#tpu.dimension_semantics<core_parallel>, #tpu.dimension_semantics<subcore_parallel>], iteration_bounds = array<i64: 2, 16>, scalar_prefetch = 0 : i64, scratch_operands = 3 : i64, tpu.core_type = #tpu.core_type<sc_vector_subcore>, window_params = [{transform_indices = #map}, {transform_indices = #map1}, {transform_indices = #map}]} {
    %mul3A = arith.constant 2 : i32
    %mul3A_0 = arith.muli %arg1, %mul3A : i32
    %add3A = arith.addi %mul3A_0, %arg0 : i32
    %mul3A_1 = arith.constant 288 : i32
    %mul3A_2 = arith.muli %add3A, %mul3A_1 : i32
    "tpu.region"() ({
      %run_scoped3A = tpu.sem_alloc : memref<!tpu.dma_semaphore, #tpu.memory_space<semaphore_mem>>
      %dma_start3A_61 = arith.constant 0 : i32
      %dma_start3A_62 = arith.constant 0 : i32
      %dma_start3A_63 = tpu.memref_slice %arg3[%add3A, %dma_start3A_61, %dma_start3A_62] : memref<32x3x96xi32, #tpu.memory_space<hbm>> -> memref<1x3x96xi32, #tpu.memory_space<hbm>>
      %dma_start3A_64 = tpu.memref_squeeze %dma_start3A_63 : memref<1x3x96xi32, #tpu.memory_space<hbm>> -> memref<3x96xi32, #tpu.memory_space<hbm>>
      %dma_start3A_65 = arith.constant 0 : i32
      %dma_start3A_66 = arith.constant 0 : i32
      %dma_start3A_67 = tpu.memref_slice %arg3[%add3A, %dma_start3A_65, %dma_start3A_66] : memref<32x3x96xi32, #tpu.memory_space<hbm>> -> memref<1x3x96xi32, #tpu.memory_space<hbm>>
      %dma_start3A_68 = tpu.memref_squeeze %dma_start3A_67 : memref<1x3x96xi32, #tpu.memory_space<hbm>> -> memref<3x96xi32, #tpu.memory_space<hbm>>
      tpu.enqueue_dma source(%dma_start3A_68 : memref<3x96xi32, #tpu.memory_space<hbm>>) target(%arg5 : memref<3x96xi32, #tpu.memory_space<vmem>>) target_semaphore(%run_scoped3A : memref<!tpu.dma_semaphore, #tpu.memory_space<semaphore_mem>>)
      %dma_wait3A_69 = arith.constant 0 : i32
      %dma_wait3A_70 = arith.constant 0 : i32
      %dma_wait3A_71 = tpu.memref_slice %arg3[%add3A, %dma_wait3A_69, %dma_wait3A_70] : memref<32x3x96xi32, #tpu.memory_space<hbm>> -> memref<1x3x96xi32, #tpu.memory_space<hbm>>
      %dma_wait3A_72 = tpu.memref_squeeze %dma_wait3A_71 : memref<1x3x96xi32, #tpu.memory_space<hbm>> -> memref<3x96xi32, #tpu.memory_space<hbm>>
      %dma_wait3A_73 = arith.constant 0 : i32
      %dma_wait3A_74 = arith.constant 0 : i32
      %dma_wait3A_75 = tpu.memref_slice %arg3[%add3A, %dma_wait3A_73, %dma_wait3A_74] : memref<32x3x96xi32, #tpu.memory_space<hbm>> -> memref<1x3x96xi32, #tpu.memory_space<hbm>>
      %dma_wait3A_76 = tpu.memref_squeeze %dma_wait3A_75 : memref<1x3x96xi32, #tpu.memory_space<hbm>> -> memref<3x96xi32, #tpu.memory_space<hbm>>
      tpu.wait_dma2 semaphore(%run_scoped3A : memref<!tpu.dma_semaphore, #tpu.memory_space<semaphore_mem>>) src(%dma_wait3A_76 : memref<3x96xi32, #tpu.memory_space<hbm>>) dst(%arg5 : memref<3x96xi32, #tpu.memory_space<vmem>>)
      tpu.yield
    }) : () -> ()
    %dma_start3A = arith.constant 0 : i32
    %dma_start3A_3 = arith.constant 0 : i32
    %dma_start3A_4 = arith.constant 0 : i32
    %dma_start3A_5 = tpu.memref_slice %arg6[%dma_start3A_3, %dma_start3A_4] : memref<288x64xf32, #tpu.memory_space<vmem>> -> memref<96x64xf32, #tpu.memory_space<vmem>>
    %dma_start3A_6 = arith.constant 0 : i32
    %dma_start3A_7 = tpu.memref_slice %arg5[%dma_start3A, %dma_start3A_6] : memref<3x96xi32, #tpu.memory_space<vmem>> -> memref<1x96xi32, #tpu.memory_space<vmem>>
    %dma_start3A_8 = tpu.memref_squeeze %dma_start3A_7 : memref<1x96xi32, #tpu.memory_space<vmem>> -> memref<96xi32, #tpu.memory_space<vmem>>
    %dma_start3A_9 = arith.constant 0 : i32
    %dma_start3A_10 = arith.constant 0 : i32
    %dma_start3A_11 = tpu.memref_slice %arg2[%dma_start3A_9, %dma_start3A_10] : memref<8192x64xf32, #tpu.memory_space<hbm>> -> memref<8192x64xf32, #tpu.memory_space<hbm>>
    tpu.enqueue_indirect_dma source(%dma_start3A_11 : memref<8192x64xf32, #tpu.memory_space<hbm>>) target(%dma_start3A_5 : memref<96x64xf32, #tpu.memory_space<vmem>>) offsets(%dma_start3A_8 : memref<96xi32, #tpu.memory_space<vmem>>) semaphore(%arg7 : memref<!tpu.dma_semaphore, #tpu.memory_space<semaphore_mem>>)
    %dma_start3A_12 = arith.constant 1 : i32
    %dma_start3A_13 = arith.constant 96 : i32
    %dma_start3A_14 = arith.constant 0 : i32
    %dma_start3A_15 = tpu.memref_slice %arg6[%dma_start3A_13, %dma_start3A_14] : memref<288x64xf32, #tpu.memory_space<vmem>> -> memref<96x64xf32, #tpu.memory_space<vmem>>
    %dma_start3A_16 = arith.constant 0 : i32
    %dma_start3A_17 = tpu.memref_slice %arg5[%dma_start3A_12, %dma_start3A_16] : memref<3x96xi32, #tpu.memory_space<vmem>> -> memref<1x96xi32, #tpu.memory_space<vmem>>
    %dma_start3A_18 = tpu.memref_squeeze %dma_start3A_17 : memref<1x96xi32, #tpu.memory_space<vmem>> -> memref<96xi32, #tpu.memory_space<vmem>>
    %dma_start3A_19 = arith.constant 0 : i32
    %dma_start3A_20 = arith.constant 0 : i32
    %dma_start3A_21 = tpu.memref_slice %arg2[%dma_start3A_19, %dma_start3A_20] : memref<8192x64xf32, #tpu.memory_space<hbm>> -> memref<8192x64xf32, #tpu.memory_space<hbm>>
    tpu.enqueue_indirect_dma source(%dma_start3A_21 : memref<8192x64xf32, #tpu.memory_space<hbm>>) target(%dma_start3A_15 : memref<96x64xf32, #tpu.memory_space<vmem>>) offsets(%dma_start3A_18 : memref<96xi32, #tpu.memory_space<vmem>>) semaphore(%arg7 : memref<!tpu.dma_semaphore, #tpu.memory_space<semaphore_mem>>)
    %dma_start3A_22 = arith.constant 2 : i32
    %dma_start3A_23 = arith.constant 192 : i32
    %dma_start3A_24 = arith.constant 0 : i32
    %dma_start3A_25 = tpu.memref_slice %arg6[%dma_start3A_23, %dma_start3A_24] : memref<288x64xf32, #tpu.memory_space<vmem>> -> memref<96x64xf32, #tpu.memory_space<vmem>>
    %dma_start3A_26 = arith.constant 0 : i32
    %dma_start3A_27 = tpu.memref_slice %arg5[%dma_start3A_22, %dma_start3A_26] : memref<3x96xi32, #tpu.memory_space<vmem>> -> memref<1x96xi32, #tpu.memory_space<vmem>>
    %dma_start3A_28 = tpu.memref_squeeze %dma_start3A_27 : memref<1x96xi32, #tpu.memory_space<vmem>> -> memref<96xi32, #tpu.memory_space<vmem>>
    %dma_start3A_29 = arith.constant 0 : i32
    %dma_start3A_30 = arith.constant 0 : i32
    %dma_start3A_31 = tpu.memref_slice %arg2[%dma_start3A_29, %dma_start3A_30] : memref<8192x64xf32, #tpu.memory_space<hbm>> -> memref<8192x64xf32, #tpu.memory_space<hbm>>
    tpu.enqueue_indirect_dma source(%dma_start3A_31 : memref<8192x64xf32, #tpu.memory_space<hbm>>) target(%dma_start3A_25 : memref<96x64xf32, #tpu.memory_space<vmem>>) offsets(%dma_start3A_28 : memref<96xi32, #tpu.memory_space<vmem>>) semaphore(%arg7 : memref<!tpu.dma_semaphore, #tpu.memory_space<semaphore_mem>>)
    %dma_wait3A = arith.constant 0 : i32
    %dma_wait3A_32 = arith.constant 0 : i32
    %dma_wait3A_33 = arith.constant 0 : i32
    %dma_wait3A_34 = tpu.memref_slice %arg6[%dma_wait3A_32, %dma_wait3A_33] : memref<288x64xf32, #tpu.memory_space<vmem>> -> memref<96x64xf32, #tpu.memory_space<vmem>>
    %dma_wait3A_35 = arith.constant 0 : i32
    %dma_wait3A_36 = tpu.memref_slice %arg5[%dma_wait3A, %dma_wait3A_35] : memref<3x96xi32, #tpu.memory_space<vmem>> -> memref<1x96xi32, #tpu.memory_space<vmem>>
    %dma_wait3A_37 = tpu.memref_squeeze %dma_wait3A_36 : memref<1x96xi32, #tpu.memory_space<vmem>> -> memref<96xi32, #tpu.memory_space<vmem>>
    %dma_wait3A_38 = arith.constant 0 : i32
    %dma_wait3A_39 = arith.constant 0 : i32
    %dma_wait3A_40 = tpu.memref_slice %arg2[%dma_wait3A_38, %dma_wait3A_39] : memref<8192x64xf32, #tpu.memory_space<hbm>> -> memref<8192x64xf32, #tpu.memory_space<hbm>>
    tpu.wait_indirect_dma semaphore(%arg7 : memref<!tpu.dma_semaphore, #tpu.memory_space<semaphore_mem>>) src(%dma_wait3A_40 : memref<8192x64xf32, #tpu.memory_space<hbm>>) dst(%dma_wait3A_34 : memref<96x64xf32, #tpu.memory_space<vmem>>)
    %dma_wait3A_41 = arith.constant 1 : i32
    %dma_wait3A_42 = arith.constant 96 : i32
    %dma_wait3A_43 = arith.constant 0 : i32
    %dma_wait3A_44 = tpu.memref_slice %arg6[%dma_wait3A_42, %dma_wait3A_43] : memref<288x64xf32, #tpu.memory_space<vmem>> -> memref<96x64xf32, #tpu.memory_space<vmem>>
    %dma_wait3A_45 = arith.constant 0 : i32
    %dma_wait3A_46 = tpu.memref_slice %arg5[%dma_wait3A_41, %dma_wait3A_45] : memref<3x96xi32, #tpu.memory_space<vmem>> -> memref<1x96xi32, #tpu.memory_space<vmem>>
    %dma_wait3A_47 = tpu.memref_squeeze %dma_wait3A_46 : memref<1x96xi32, #tpu.memory_space<vmem>> -> memref<96xi32, #tpu.memory_space<vmem>>
    %dma_wait3A_48 = arith.constant 0 : i32
    %dma_wait3A_49 = arith.constant 0 : i32
    %dma_wait3A_50 = tpu.memref_slice %arg2[%dma_wait3A_48, %dma_wait3A_49] : memref<8192x64xf32, #tpu.memory_space<hbm>> -> memref<8192x64xf32, #tpu.memory_space<hbm>>
    tpu.wait_indirect_dma semaphore(%arg7 : memref<!tpu.dma_semaphore, #tpu.memory_space<semaphore_mem>>) src(%dma_wait3A_50 : memref<8192x64xf32, #tpu.memory_space<hbm>>) dst(%dma_wait3A_44 : memref<96x64xf32, #tpu.memory_space<vmem>>)
    %dma_wait3A_51 = arith.constant 2 : i32
    %dma_wait3A_52 = arith.constant 192 : i32
    %dma_wait3A_53 = arith.constant 0 : i32
    %dma_wait3A_54 = tpu.memref_slice %arg6[%dma_wait3A_52, %dma_wait3A_53] : memref<288x64xf32, #tpu.memory_space<vmem>> -> memref<96x64xf32, #tpu.memory_space<vmem>>
    %dma_wait3A_55 = arith.constant 0 : i32
    %dma_wait3A_56 = tpu.memref_slice %arg5[%dma_wait3A_51, %dma_wait3A_55] : memref<3x96xi32, #tpu.memory_space<vmem>> -> memref<1x96xi32, #tpu.memory_space<vmem>>
    %dma_wait3A_57 = tpu.memref_squeeze %dma_wait3A_56 : memref<1x96xi32, #tpu.memory_space<vmem>> -> memref<96xi32, #tpu.memory_space<vmem>>
    %dma_wait3A_58 = arith.constant 0 : i32
    %dma_wait3A_59 = arith.constant 0 : i32
    %dma_wait3A_60 = tpu.memref_slice %arg2[%dma_wait3A_58, %dma_wait3A_59] : memref<8192x64xf32, #tpu.memory_space<hbm>> -> memref<8192x64xf32, #tpu.memory_space<hbm>>
    tpu.wait_indirect_dma semaphore(%arg7 : memref<!tpu.dma_semaphore, #tpu.memory_space<semaphore_mem>>) src(%dma_wait3A_60 : memref<8192x64xf32, #tpu.memory_space<hbm>>) dst(%dma_wait3A_54 : memref<96x64xf32, #tpu.memory_space<vmem>>)
    "tpu.region"() ({
      %run_scoped3A = tpu.sem_alloc : memref<!tpu.dma_semaphore, #tpu.memory_space<semaphore_mem>>
      %dma_start3A_61 = arith.constant 0 : i32
      %dma_start3A_62 = tpu.memref_slice %arg4[%mul3A_2, %dma_start3A_61] : memref<9216x64xf32, #tpu.memory_space<hbm>> -> memref<288x64xf32, #tpu.memory_space<hbm>>
      %dma_start3A_63 = arith.constant 0 : i32
      %dma_start3A_64 = tpu.memref_slice %arg4[%mul3A_2, %dma_start3A_63] : memref<9216x64xf32, #tpu.memory_space<hbm>> -> memref<288x64xf32, #tpu.memory_space<hbm>>
      tpu.enqueue_dma source(%arg6 : memref<288x64xf32, #tpu.memory_space<vmem>>) target(%dma_start3A_64 : memref<288x64xf32, #tpu.memory_space<hbm>>) target_semaphore(%run_scoped3A : memref<!tpu.dma_semaphore, #tpu.memory_space<semaphore_mem>>)
      %dma_wait3A_65 = arith.constant 0 : i32
      %dma_wait3A_66 = tpu.memref_slice %arg4[%mul3A_2, %dma_wait3A_65] : memref<9216x64xf32, #tpu.memory_space<hbm>> -> memref<288x64xf32, #tpu.memory_space<hbm>>
      %dma_wait3A_67 = arith.constant 0 : i32
      %dma_wait3A_68 = tpu.memref_slice %arg4[%mul3A_2, %dma_wait3A_67] : memref<9216x64xf32, #tpu.memory_space<hbm>> -> memref<288x64xf32, #tpu.memory_space<hbm>>
      tpu.wait_dma2 semaphore(%run_scoped3A : memref<!tpu.dma_semaphore, #tpu.memory_space<semaphore_mem>>) src(%arg6 : memref<288x64xf32, #tpu.memory_space<vmem>>) dst(%dma_wait3A_68 : memref<288x64xf32, #tpu.memory_space<hbm>>)
      tpu.yield
    }) : () -> ()
    return
  }
}

module attributes {stable_mosaic.version = 14 : i64} {
  func.func @_dist_argmin_body(%arg0: i32, %arg1: memref<512x64xf32, #tpu.memory_space<vmem>>, %arg2: memref<8192x64xf32, #tpu.memory_space<vmem>>, %arg3: memref<512xi32, #tpu.memory_space<vmem>>, %arg4: memref<1xf32, #tpu.memory_space<smem>>) attributes {dimension_semantics = [#tpu.dimension_semantics<arbitrary>], iteration_bounds = array<i64: 18>, scalar_prefetch = 0 : i64, scratch_operands = 0 : i64, tpu.core_type = #tpu.core_type<tc>, window_params = [{transform_indices = @transform_0, window_bounds = array<i64: 512, 64>}, {pipeline_mode = #tpu.pipeline_mode<synchronous>, transform_indices = @transform_1, window_bounds = array<i64: 8192, 64>}, {transform_indices = @transform_2, window_bounds = array<i64: 512>}, {transform_indices = @transform_3, window_bounds = array<i64: 1>}]} {
    %get3A = arith.constant 0 : index
    %get3A_0 = arith.constant 0 : index
    %get3A_1 = vector.load %arg1[%get3A, %get3A_0] : memref<512x64xf32, #tpu.memory_space<vmem>>, vector<512x64xf32>
    %get3A_2 = arith.constant 0 : index
    %get3A_3 = arith.constant 0 : index
    %get3A_4 = vector.load %arg2[%get3A_2, %get3A_3] : memref<8192x64xf32, #tpu.memory_space<vmem>>, vector<8192x64xf32>
    %mul3A = arith.mulf %get3A_1, %get3A_1 : vector<512x64xf32>
    %reduce_sum3A = arith.constant dense<0.000000e+00> : vector<512xf32>
    %reduce_sum3A_5 = vector.multi_reduction <add>, %mul3A, %reduce_sum3A [1] : vector<512x64xf32> to vector<512xf32>
    %broadcast_in_dim3A = vector.shape_cast %reduce_sum3A_5 : vector<512xf32> to vector<512x1xf32>
    %mul3A_6 = arith.mulf %get3A_4, %get3A_4 : vector<8192x64xf32>
    %reduce_sum3A_7 = arith.constant dense<0.000000e+00> : vector<8192xf32>
    %reduce_sum3A_8 = vector.multi_reduction <add>, %mul3A_6, %reduce_sum3A_7 [1] : vector<8192x64xf32> to vector<8192xf32>
    %broadcast_in_dim3A_9 = vector.shape_cast %reduce_sum3A_8 : vector<8192xf32> to vector<1x8192xf32>
    %convert_element_type3A = arith.truncf %get3A_1 : vector<512x64xf32> to vector<512x64xbf16>
    %convert_element_type3A_10 = arith.truncf %get3A_4 : vector<8192x64xf32> to vector<8192x64xbf16>
    %dot_general3A = arith.constant dense<0.000000e+00> : vector<512x8192xf32>
    %dot_general3A_11 = tpu.matmul %convert_element_type3A, %convert_element_type3A_10, %dot_general3A {dimension_numbers = #tpu.dot_dimension_numbers<[1], [1], [0], [0], [0, 0, 1, 0], [], []>, transpose_lhs_hint = false} : vector<512x64xbf16>, vector<8192x64xbf16>, vector<512x8192xf32> -> vector<512x8192xf32>
    %mul3A_12 = arith.constant 2.000000e+00 : f32
    %mul3A_13 = vector.broadcast %mul3A_12 : f32 to vector<512x8192xf32>
    %mul3A_14 = arith.mulf %mul3A_13, %dot_general3A_11 : vector<512x8192xf32>
    %sub3A = vector.broadcast %broadcast_in_dim3A : vector<512x1xf32> to vector<512x8192xf32>
    %sub3A_15 = arith.subf %sub3A, %mul3A_14 : vector<512x8192xf32>
    %add3A = vector.broadcast %broadcast_in_dim3A_9 : vector<1x8192xf32> to vector<512x8192xf32>
    %add3A_16 = arith.addf %sub3A_15, %add3A : vector<512x8192xf32>
    %slice3A = vector.extract_strided_slice %add3A_16 {offsets = [0, 0], sizes = [512, 2048], strides = [1, 1]} : vector<512x8192xf32> to vector<512x2048xf32>
    %reduce_min3A = arith.constant dense<0x7F800000> : vector<512xf32>
    %reduce_min3A_17 = vector.multi_reduction <minimumf>, %slice3A, %reduce_min3A [1] : vector<512x2048xf32> to vector<512xf32>
    %argmin3A = tpu.reduce_index %slice3A {axis = 1 : i32, kind = #tpu.reduction_kind<arg_min>} : vector<512x2048xf32> -> vector<512xi32>
    %add3A_18 = arith.constant 0 : i32
    %add3A_19 = vector.broadcast %add3A_18 : i32 to vector<512xi32>
    %add3A_20 = arith.addi %argmin3A, %add3A_19 : vector<512xi32>
    %convert_element_type3A_21 = arith.truncf %reduce_min3A_17 : vector<512xf32> to vector<512xbf16>
    %convert_element_type3A_22 = arith.extf %convert_element_type3A_21 : vector<512xbf16> to vector<512xf32>
    %slice3A_23 = vector.extract_strided_slice %add3A_16 {offsets = [0, 2048], sizes = [512, 2048], strides = [1, 1]} : vector<512x8192xf32> to vector<512x2048xf32>
    %reduce_min3A_24 = arith.constant dense<0x7F800000> : vector<512xf32>
    %reduce_min3A_25 = vector.multi_reduction <minimumf>, %slice3A_23, %reduce_min3A_24 [1] : vector<512x2048xf32> to vector<512xf32>
    %argmin3A_26 = tpu.reduce_index %slice3A_23 {axis = 1 : i32, kind = #tpu.reduction_kind<arg_min>} : vector<512x2048xf32> -> vector<512xi32>
    %add3A_27 = arith.constant 2048 : i32
    %add3A_28 = vector.broadcast %add3A_27 : i32 to vector<512xi32>
    %add3A_29 = arith.addi %argmin3A_26, %add3A_28 : vector<512xi32>
    %lt3A = arith.cmpf olt, %reduce_min3A_25, %convert_element_type3A_22 : vector<512xf32>
    %select_n3A = arith.select %lt3A, %add3A_29, %add3A_20 : vector<512xi1>, vector<512xi32>
    %select_n3A_30 = arith.select %lt3A, %reduce_min3A_25, %reduce_min3A_17 : vector<512xi1>, vector<512xf32>
    %convert_element_type3A_31 = arith.truncf %reduce_min3A_25 : vector<512xf32> to vector<512xbf16>
    %convert_element_type3A_32 = arith.extf %convert_element_type3A_31 : vector<512xbf16> to vector<512xf32>
    %select_n3A_33 = arith.select %lt3A, %convert_element_type3A_32, %convert_element_type3A_22 : vector<512xi1>, vector<512xf32>
    %slice3A_34 = vector.extract_strided_slice %add3A_16 {offsets = [0, 4096], sizes = [512, 2048], strides = [1, 1]} : vector<512x8192xf32> to vector<512x2048xf32>
    %reduce_min3A_35 = arith.constant dense<0x7F800000> : vector<512xf32>
    %reduce_min3A_36 = vector.multi_reduction <minimumf>, %slice3A_34, %reduce_min3A_35 [1] : vector<512x2048xf32> to vector<512xf32>
    %argmin3A_37 = tpu.reduce_index %slice3A_34 {axis = 1 : i32, kind = #tpu.reduction_kind<arg_min>} : vector<512x2048xf32> -> vector<512xi32>
    %add3A_38 = arith.constant 4096 : i32
    %add3A_39 = vector.broadcast %add3A_38 : i32 to vector<512xi32>
    %add3A_40 = arith.addi %argmin3A_37, %add3A_39 : vector<512xi32>
    %lt3A_41 = arith.cmpf olt, %reduce_min3A_36, %select_n3A_33 : vector<512xf32>
    %select_n3A_42 = arith.select %lt3A_41, %add3A_40, %select_n3A : vector<512xi1>, vector<512xi32>
    %select_n3A_43 = arith.select %lt3A_41, %reduce_min3A_36, %select_n3A_30 : vector<512xi1>, vector<512xf32>
    %convert_element_type3A_44 = arith.truncf %reduce_min3A_36 : vector<512xf32> to vector<512xbf16>
    %convert_element_type3A_45 = arith.extf %convert_element_type3A_44 : vector<512xbf16> to vector<512xf32>
    %select_n3A_46 = arith.select %lt3A_41, %convert_element_type3A_45, %select_n3A_33 : vector<512xi1>, vector<512xf32>
    %slice3A_47 = vector.extract_strided_slice %add3A_16 {offsets = [0, 6144], sizes = [512, 2048], strides = [1, 1]} : vector<512x8192xf32> to vector<512x2048xf32>
    %reduce_min3A_48 = arith.constant dense<0x7F800000> : vector<512xf32>
    %reduce_min3A_49 = vector.multi_reduction <minimumf>, %slice3A_47, %reduce_min3A_48 [1] : vector<512x2048xf32> to vector<512xf32>
    %argmin3A_50 = tpu.reduce_index %slice3A_47 {axis = 1 : i32, kind = #tpu.reduction_kind<arg_min>} : vector<512x2048xf32> -> vector<512xi32>
    %add3A_51 = arith.constant 6144 : i32
    %add3A_52 = vector.broadcast %add3A_51 : i32 to vector<512xi32>
    %add3A_53 = arith.addi %argmin3A_50, %add3A_52 : vector<512xi32>
    %lt3A_54 = arith.cmpf olt, %reduce_min3A_49, %select_n3A_46 : vector<512xf32>
    %select_n3A_55 = arith.select %lt3A_54, %add3A_53, %select_n3A_42 : vector<512xi1>, vector<512xi32>
    %select_n3A_56 = arith.select %lt3A_54, %reduce_min3A_49, %select_n3A_43 : vector<512xi1>, vector<512xf32>
    %swap3A = arith.constant 0 : index
    %swap3A_57 = vector.load %arg3[%swap3A] : memref<512xi32, #tpu.memory_space<vmem>>, vector<512xi32>
    tpu.vector_store %arg3[%swap3A], %select_n3A_55 {strides = array<i32>} : memref<512xi32, #tpu.memory_space<vmem>>, vector<512xi32>,
    %reduce_sum3A_58 = vector.shape_cast %select_n3A_56 : vector<512xf32> to vector<1x512xf32>
    %reduce_sum3A_59 = arith.constant dense<0.000000e+00> : vector<1xf32>
    %reduce_sum3A_60 = vector.multi_reduction <add>, %reduce_sum3A_58, %reduce_sum3A_59 [1] : vector<1x512xf32> to vector<1xf32>
    %reduce_sum3A_61 = vector.shape_cast %reduce_sum3A_60 : vector<1xf32> to vector<1x1xf32>
    %reduce_sum3A_62 = vector.extract %reduce_sum3A_61[0, 0] : f32 from vector<1x1xf32>
    %eq3A = arith.constant 0 : i32
    %eq3A_63 = arith.cmpi eq, %arg0, %eq3A : i32
    %convert_element_type3A_64 = arith.extui %eq3A_63 : i1 to i32
    %cond3A = arith.constant 0 : i32
    %cond3A_65 = arith.cmpi ne, %convert_element_type3A_64, %cond3A : i32
    scf.if %cond3A_65 {
      %swap3A_76 = arith.constant 0.000000e+00 : f32
      %swap3A_77 = arith.constant 0 : index
      %swap3A_78 = memref.load %arg4[%swap3A_77] : memref<1xf32, #tpu.memory_space<smem>>
      memref.store %swap3A_76, %arg4[%swap3A_77] : memref<1xf32, #tpu.memory_space<smem>>
    } else {
    }
    %get3A_66 = arith.constant 0 : index
    %get3A_67 = memref.load %arg4[%get3A_66] : memref<1xf32, #tpu.memory_space<smem>>
    %add3A_68 = arith.addf %get3A_67, %reduce_sum3A_62 : f32
    %swap3A_69 = arith.constant 0 : index
    %swap3A_70 = memref.load %arg4[%swap3A_69] : memref<1xf32, #tpu.memory_space<smem>>
    memref.store %add3A_68, %arg4[%swap3A_69] : memref<1xf32, #tpu.memory_space<smem>>
    %eq3A_71 = arith.constant 17 : i32
    %eq3A_72 = arith.cmpi eq, %arg0, %eq3A_71 : i32
    %convert_element_type3A_73 = arith.extui %eq3A_72 : i1 to i32
    %cond3A_74 = arith.constant 0 : i32
    %cond3A_75 = arith.cmpi ne, %convert_element_type3A_73, %cond3A_74 : i32
    scf.if %cond3A_75 {
      %get3A_76 = arith.constant 0 : index
      %get3A_77 = memref.load %arg4[%get3A_76] : memref<1xf32, #tpu.memory_space<smem>>
      %mul3A_78 = arith.constant 4.23855255E-7 : f32
      %mul3A_79 = arith.mulf %get3A_77, %mul3A_78 : f32
      %swap3A_80 = arith.constant 0 : index
      %swap3A_81 = memref.load %arg4[%swap3A_80] : memref<1xf32, #tpu.memory_space<smem>>
      memref.store %mul3A_79, %arg4[%swap3A_80] : memref<1xf32, #tpu.memory_space<smem>>
    } else {
    }
    return
  }
  func.func @transform_0(%arg0: i32) -> (i32, i32) {
    %c0_i32 = arith.constant 0 : i32
    %c0_i32_0 = arith.constant 0 : i32
    return %arg0, %c0_i32 : i32, i32
  }
  func.func @transform_1(%arg0: i32) -> (i32, i32) {
    %c0_i32 = arith.constant 0 : i32
    %c0_i32_0 = arith.constant 0 : i32
    %c0_i32_1 = arith.constant 0 : i32
    return %c0_i32, %c0_i32_0 : i32, i32
  }
  func.func @transform_2(%arg0: i32) -> i32 {
    %c0_i32 = arith.constant 0 : i32
    return %arg0 : i32
  }
  func.func @transform_3(%arg0: i32) -> i32 {
    %c0_i32 = arith.constant 0 : i32
    %c0_i32_0 = arith.constant 0 : i32
    return %c0_i32 : i32
  }
}

</mosaic_0001>

<sc_bundles>
// kernel: kernel.4.cloned.1.call-start
scs
__scs_entry_jumppad:
0x0: {  	(pc) =	sbr.rel $0x88, $3  }
0x1: {  	(tag) =	ssettag $0x0;
	lr =	simm.s32 $0x1  }
0x2: {  	[smem:$0x3F9F] =	sst lr;
	_ =	strace $0xD0000000  }
0x3: {  	_ = 	snop  }
0x4: {  	_ = 	snop  }
0x5: {  	_ = 	snop  }
0x6: {  	_ = 	snop  }
0x7: {  	_ = 	snop  }
__scs_overlays_trampoline_lowered:
0x8: {  	[smem:$0x3FAE] =	sst s0  }
0x9: {  	[smem:$0x3FAF] =	sst s1  }
0xa: {  	[smem:$0x3FB0] =	sst s2  }
0xb: {  	[smem:$0x3FB1] =	sst s3  }
0xc: {  	[smem:$0x3FB2] =	sst s4  }
0xd: {  	[smem:$0x3FB3] =	sst s5  }
0xe: {  	[smem:$0x3FB4] =	sst s6  }
0xf: {  	[smem:$0x3FB5] =	sst s7  }
0x10: {  	[smem:$0x3FB6] =	sst s8  }
0x11: {  	[smem:$0x3FB7] =	sst s9;
	s0 =	simm.s32 @!p0 $0x0  }
0x12: {  	s1 =	sld [smem:$0x3F9D];
	s0 =	simm.s32 @p0 $0x1  }
0x13: {  	[smem:$0x3FB8] =	sst s0;
	s0 =	simm.s32 @!p1 $0x0  }
0x14: {  	s2 =	sld [smem:$0x3F9C];
	s0 =	simm.s32 @p1 $0x1  }
0x15: {  	[smem:$0x3FB9] =	sst s0;
	s0 =	simm.s32 @!p2 $0x0  }
0x16: {  	s3 =	sld [smem:$0x3FDB];
	s0 =	simm.s32 @p2 $0x1  }
0x17: {  	s4 =	simm.s32 $0x1BF5;
	[smem:$0x3FBB] =	sst s0  }
0x18: {  	s0 =	sld [smem:$0x3F9E];
	_ =	swait.ge [sflag:s4], $0x0  }
0x19: {  	s7 =	sld [smem:$0x3F9F]  }
0x1a: {  	s8 =	sadd.s32 $0xFFFFE003, lr  }
0x1b: {  	s9 =	sadd.s32 $0xFFFFFEF7, lr;
	s5 =	simm.s32 $0xFFFFFFFF;
	p2 =	slt.u32 s8, $0xFFFFF086  }
0x1c: {  	p1 =	slt.u32 s9, $0xF7A;
	s5 =	simm.s32 @!p2 $0x0  }
0x1d: {  	s5 =	simm.s32 @p1 $0x1;
	p0 =	seq.s32 s7, s2  }
0x1e: {  	s7 =	smul.u32 @!p0 $0xF7A, s2;
	p2 =	seq.s32 @!p0 s5, $0x0  }
0x1f: {  	s9 =	smul.u32 $0xF7A, s1;
	s8 =	simm.s32 @!p0 $0x1BF5;
	p2 =	por !p2, p0  }
0x20: {  	[sflag:s8] =	ssyncset.s32 @!p0 $0xFFFFF086;
	s6 =	sadd.s32 @!p0 s3, s7;
	s7 =	simm.s32 @!p0 $0x108  }
0x21: {  	s3 =	sadd.s32 s3, s9;
	s6 =	sadd.s32 @!p0 $0x88, s6;
	s7 =	simm.s32 @p2 $0x1082  }
0x22: {  	[simem:s7], [sflag:s8] =	dma.local @!p0 [hbm:s6], $0xF7A  }
0x23: {  	s9 =	sor.u32 $0xD0000000, s2;
	s6 =	simm.s32 $0x108;
	_ =	swait.ge @!p0 [sflag:s8], $0x0  }
0x24: {  	s3 =	sadd.s32 $0x88, s3;
	s6 =	simm.s32 @!p1 $0x1082;
	[sflag:s4] =	ssyncset.s32 $0xFFFFF086  }
0x25: {  	[simem:s6], [sflag:s4] =	dma.local [hbm:s3], $0xF7A  }
0x26: {  	[smem:$0x3F9F] =	sst s1;
	(tag) =	ssettag s2;
	_ =	strace s9  }
0x27: {  	s1 =	sld [smem:$0x3FAF]  }
0x28: {  	s2 =	sld [smem:$0x3FB0]  }
0x29: {  	s4 =	sld [smem:$0x3FB2]  }
0x2a: {  	p0 =	seq.s32 s5, $0x0;
	s5 =	sld [smem:$0x3FB3]  }
0x2b: {  	s6 =	sld [smem:$0x3FB4]  }
0x2c: {  	s7 =	sld [smem:$0x3FB5]  }
0x2d: {  	s3 =	simm.s32 $0x108;
	s8 =	sld [smem:$0x3FB6]  }
0x2e: {  	s3 =	simm.s32 @!p0 $0x1082;
	s9 =	sld [smem:$0x3FB7]  }
0x2f: {  	lr =	sadd.s32 s0, s3;
	s0 =	sld [smem:$0x3FAE]  }
0x30: {  	s3 =	sld [smem:$0x3FB1]  }
0x31: {  	[smem:$0x3FBA] =	sst s10  }
0x32: {  	s10 =	sld [smem:$0x3FB8];
	_ =	sdelay $0x3  }
0x33: {  	p0 =	seq.s32 s10, $0x1;
	s10 =	sld [smem:$0x3FBA];
	_ =	sdelay $0x3  }
0x34: {  	[smem:$0x3FBA] =	sst s10  }
0x35: {  	s10 =	sld [smem:$0x3FB9];
	_ =	sdelay $0x3  }
0x36: {  	p1 =	seq.s32 s10, $0x1;
	s10 =	sld [smem:$0x3FBA];
	_ =	sdelay $0x3  }
0x37: {  	[smem:$0x3FBA] =	sst s10  }
0x38: {  	s10 =	sld [smem:$0x3FBB]  }
0x39: {  	_ = 	snop;
	(pc) =	sbr.ind lr, $3  }
0x3a: {  	_ = 	snop  }
0x3b: {  	_ = 	snop  }
0x3c: {  	p2 =	seq.s32 s10, $0x1;
	s10 =	sld [smem:$0x3FBA]  }
0x3d: {  	_ =	shalt  }
0x3e: {  	_ =	shalt  }
0x3f: {  	_ =	shalt  }
0x40: {  	_ =	shalt  }
0x41: {  	_ =	shalt  }
0x42: {  	_ =	shalt  }
0x43: {  	_ =	shalt  }
0x44: {  	_ =	shalt  }
0x45: {  	_ =	shalt  }
0x46: {  	_ =	shalt  }
0x47: {  	_ =	shalt  }
0x48: {  	_ =	shalt  }
0x49: {  	_ =	shalt  }
0x4a: {  	_ =	shalt  }
0x4b: {  	_ =	shalt  }
0x4c: {  	_ =	shalt  }
0x4d: {  	_ =	shalt  }
0x4e: {  	_ =	shalt  }
0x4f: {  	_ =	shalt  }
0x50: {  	_ =	shalt  }
0x51: {  	_ =	shalt  }
0x52: {  	_ =	shalt  }
0x53: {  	_ =	shalt  }
0x54: {  	_ =	shalt  }
0x55: {  	_ =	shalt  }
0x56: {  	_ =	shalt  }
0x57: {  	_ =	shalt  }
0x58: {  	_ =	shalt  }
0x59: {  	_ =	shalt  }
0x5a: {  	_ =	shalt  }
0x5b: {  	_ =	shalt  }
0x5c: {  	_ =	shalt  }
0x5d: {  	_ =	shalt  }
0x5e: {  	_ =	shalt  }
0x5f: {  	_ =	shalt  }
0x60: {  	_ =	shalt  }
0x61: {  	_ =	shalt  }
0x62: {  	_ =	shalt  }
0x63: {  	_ =	shalt  }
0x64: {  	_ =	shalt  }
0x65: {  	_ =	shalt  }
0x66: {  	_ =	shalt  }
0x67: {  	_ =	shalt  }
0x68: {  	_ =	shalt  }
0x69: {  	_ =	shalt  }
0x6a: {  	_ =	shalt  }
0x6b: {  	_ =	shalt  }
0x6c: {  	_ =	shalt  }
0x6d: {  	_ =	shalt  }
0x6e: {  	_ =	shalt  }
0x6f: {  	_ =	shalt  }
0x70: {  	_ =	shalt  }
0x71: {  	_ =	shalt  }
0x72: {  	_ =	shalt  }
0x73: {  	_ =	shalt  }
0x74: {  	_ =	shalt  }
0x75: {  	_ =	shalt  }
0x76: {  	_ =	shalt  }
0x77: {  	_ =	shalt  }
0x78: {  	_ =	shalt  }
0x79: {  	_ =	shalt  }
0x7a: {  	_ =	shalt  }
0x7b: {  	_ =	shalt  }
0x7c: {  	_ =	shalt  }
0x7d: {  	_ =	shalt  }
0x7e: {  	_ =	shalt  }
0x7f: {  	_ =	shalt  }
0x80: {  	_ =	shalt  }
0x81: {  	_ =	shalt  }
0x82: {  	_ =	shalt  }
0x83: {  	_ =	shalt  }
0x84: {  	_ =	shalt  }
0x85: {  	_ =	shalt  }
0x86: {  	_ =	shalt  }
0x87: {  	_ =	shalt  }
.Lfunc_end0:
.L_simem_size_0:
called_computation_lowered:
.L_overlay_start_0:
0x88: {  	s2 =	sld [smem:$0x3FD9]  }
0x89: {  	s3 =	sld [smem:$0x3FFE];
	_ =	sdelay $0x1  }
0x8a: {  	s1 =	srdreg.scid  }
0x8b: {  	s0 =	sand.u32 $0x1, s1  }
0x8c: {  	s14 =	sshll.u32 s0, $0xA;
	s2 =	sadd.s32 s3, s2  }
0x8d: {  	s2 =	sadd.s32 s2, s14  }
0x8e: {  	[smem:$0x3FC6] =	sst s2  }
0x8f: {  	_ = 	snop  }
0x90: {  	s2 =	sld [smem:$0x3FD0];
	_ =	sdelay $0x2  }
0x91: {  	s15 =	simm.s32 $0xA;
	s4 =	simm.s32 $0x10  }
0x92: {  	[smem:s4], [sflag:s15] =	dma.local [hbm:s2], $0x1  }
0x93: {  	_ =	swait.eq [sflag:s15], $0x1  }
0x94: {  	[sflag:s15] =	ssyncset.done $0x0  }
0x95: {  	[sflag:s15] =	ssyncadd.s32 $0xFFFFFFFF  }
0x96: {  	s16 =	sld [smem:$0x10];
	(tm) =	ssettm $0x1  }
0x97: {  	s17 =	sld [smem:$0x3FFB];
	_ =	sdelay $0x3  }
0x98: {  	_ =	strace s17  }
0x99: {  	s3 =	sld [smem:$0x3FFC];
	_ =	sdelay $0x3  }
0x9a: {  	_ =	strace s3  }
0x9b: {  	s3 =	sld [smem:$0x3FFD];
	_ =	sdelay $0x3  }
0x9c: {  	_ =	strace s3  }
0x9d: {  	_ =	strace $0x8FFFFFFF  }
0x9e: {  	s18 =	sld [smem:$0x3FDB];
	_ =	sdelay $0x1  }
0x9f: {  	s19 =	simm.s32 $_scs_section_size  }
0xa0: {  	s5 =	simm.s32 $_size__tile_overlayer_lowered;
	s6 =	simm.s32 $_tile_overlayer_lowered  }
0xa1: {  	s22 =	simm.s32 $0x1BFF;
	s21 =	sshll.u32 s6, $0x1;
	s3 =	sadd.s32 s19, s18  }
0xa2: {  	s7 =	simm.s32 $0x0;
	s20 =	sshll.u32 s5, $0x1;
	s5 =	sadd.s32 s21, s3  }
0xa3: {  	[timem:s7], [sflag:s22] =	dma.local [hbm:s5], s20  }
0xa4: {  	_ =	swait.ge [sflag:s22], s20  }
0xa5: {  	s4 =	ssub.s32 $0x0, s20;
	[sflag:s22] =	ssyncset.done $0x0  }
0xa6: {  	[sflag:s22] =	ssyncadd.s32 s4;
	_ =	sdelay $0x1  }
0xa7: {  	s23 =	simm.s32 $0x1B8B  }
0xa8: {  	_ =	swait.ge [sflag:s23], $0x1  }
0xa9: {  	[sflag:s23] =	ssyncset.done $0x0  }
0xaa: {  	s25 =	simm.s32 $0x1B8E;
	s24 =	sld [smem:$0x3FFE];
	[sflag:s23] =	ssyncadd.s32 $0xFFFFFFFF  }
0xab: {  	s26 =	simm.s32 $execute0_lowered;
	[smem:$0x3FD2] =	sst s25  }
0xac: {  	s5 =	sshll.u32 s26, $0x1;
	_ =	strace $0x80000046;
	[dreg:$0x1] =	wrdreg $0xFFFFFFFF  }
0xad: {  	s28 =	simm.s32 $_size_execute0_lowered;
	s3 =	sadd.s32 s3, s5;
	[dreg:$0x0] =	wrdreg $0x0  }
0xae: {  	s5 =	sshll.u32 s28, $0x1;
	[dreg:$0x2] =	wrdreg s3  }
0xaf: {  	[dreg:$0x3] =	wrdreg s5  }
0xb0: {  	[dreg:$0x4] =	wrdreg $0xC0  }
0xb1: {  	_ =	task [dreg:s7], $0x5FFFF  }
0xb2: {  	[dreg:$0x1] =	wrdreg $0xFFFFFFFF  }
0xb3: {  	[dreg:$0x0] =	wrdreg $0x60  }
0xb4: {  	[dreg:$0x2] =	wrdreg s24  }
0xb5: {  	[dreg:$0x3] =	wrdreg s16  }
0xb6: {  	[dreg:$0x4] =	wrdreg $0x9  }
0xb7: {  	_ =	task.clear_ibuf [dreg:s7], $0x5FFFF;
	_ =	strace $0x90000046  }
0xb8: {  	s29 =	simm.s32 $0x9;
	_ =	strace $0x80000048  }
0xb9: {  	_ =	swait.ge [sflag:s29], $0x1  }
0xba: {  	[sflag:s29] =	ssyncadd.s32 $0xFFFFFFFF  }
0xbb: {  	_ =	strace $0x90000048  }
0xbc: {  	_ =	sfence  }
0xbd: {  	s30 =	sld [smem:$0x0];
	_ =	sdelay $0x2  }
0xbe: {  	s31 =	sshll.u32 s1, $0xD;
	s1 =	sshrl.u32 s1, $0x2  }
0xbf: {  	s3 =	sand.u32 $0x4000, s31;
	s1 =	sadd.s32 s1, s30  }
0xc0: {  	s0 =	sor.u32 s3, s0;
	s1 =	sshll.u32 s1, $0x11  }
0xc1: {  	s0 =	sor.u32 s1, s0  }
0xc2: {  	s0 =	sadd.s32 $0x8F2B, s0  }
0xc3: {  	[sflag:s0] =	ssyncadd.remote.s32 $0x1  }
0xc4: {  	_ =	sfence.sel $0xFFFF  }
0xc5: {  	[dreg:$0x0] =	wrdreg $0xFFFFFFFF;
	(pc) =	sbr.abs _section_cstart, $3  }
0xc6: {  	[dreg:$0x1] =	wrdreg $0xFFFFFFFF  }
0xc7: {  	_ =	task.clear_ibuf [dreg:s7], $0x2FFFF;
	_ =	strace $0x9FFFFFFF  }
0xc8: {  	(tm) =	ssettm $0x7FFFFFFF  }
0xc9: {  	_ =	shalt  }
tec
execute0_lowered:
.L_overlay_start_1:
0x0: {  	(tag) =	ssettag $0x1  }
0x1: {  	s1 =	srdreg.scid;
	s0 =	stileid.u32  }
0x2: {  	s12 =	sand.u32 $0x1, s1;
	s30 =	sshll.u32 s0, $0x1  }
0x3: {  	s5 =	rddreg [dreg:$0x0];
	s13 =	sor.u32 s12, s30  }
0x4: {  	s14 =	rddreg [dreg:$0x1];
	s3 =	smul.u32 $0x24, s13  }
0x5: {  	s2 =	simm.s32 $0x0;
	s1 =	rddreg [dreg:$0x2]  }
0x6: {  	[smem:$0x7FF] =	sst s2;
	s3 =	sadd.s32 s3, s5  }
0x7: {  	_ =	strace $0x80000047;
	s4 =	sadd.s32 $0x10C00, s3;
	s3 =	simm.s32 $0x2  }
0x8: {  	[tilespmem:s2], [sflag:$0x2] =	stream.linear.gather [hbm4b:s4+s2], $0x120, $0x38;
	[tilespmem:$0x4920] =	vst v63  }
0x9: {  	_ =	swait.ge [sflag:s3], $0x120  }
0xa: {  	s6 =	simm.s32 $0x60;
	[sflag:s3] =	ssyncset.done $0x0  }
0xb: {  	s7 =	simm.s32 $0x120;
	s5 =	sadd.s32 $0xC00, s5;
	[sflag:s3] =	ssyncadd.s32 $0xFFFFFEE0  }
0xc: {  	[tilespmem:s7], [sflag:$0x1] =	stream.indirect.gather [hbm4b:s5+s6], $0x40, s2, s6, $0xb8;
	[tilespmem:$0x4920] =	vst v63  }
0xd: {  	s8 =	simm.s32 $0x1920  }
0xe: {  	[tilespmem:s8], [sflag:$0x1] =	stream.indirect.gather [hbm4b:s5+s6], $0x40, s6, s6, $0xb8;
	[tilespmem:$0x4920] =	vst v63  }
0xf: {  	s9 =	simm.s32 $0xC0;
	s10 =	simm.s32 $0x3120;
	s11 =	simm.s32 $0x1  }
0x10: {  	[tilespmem:s10], [sflag:$0x1] =	stream.indirect.gather [hbm4b:s5+s6], $0x40, s9, s6, $0xb8;
	[tilespmem:$0x4920] =	vst v63  }
0x11: {  	_ =	swait.ge [sflag:s11], $0x1800  }
0x12: {  	[sflag:s11] =	ssyncset.done $0x0  }
0x13: {  	s12 =	ssub.s32 $0x2, s12;
	[sflag:s11] =	ssyncadd.s32 $0xFFFFE800  }
0x14: {  	s15 =	sshrl.u32 s12, $0x1;
	_ =	swait.ge [sflag:s11], $0x1800  }
0x15: {  	s15 =	ssub.s32 s12, s15;
	[sflag:s11] =	ssyncset.done $0x0  }
0x16: {  	s31 =	smax.u32 s15, $0x1;
	[sflag:s11] =	ssyncadd.s32 $0xFFFFE800  }
0x17: {  	s13 =	smul.u32 $0x900, s13;
	p0 =	sne.s32 s31, $0x1;
	_ =	swait.ge [sflag:s11], $0x1800  }
.Ltmp0:
0x18: {  	[sflag:s11] =	ssyncset.done $0x0;
	(pc) =	sbr.rel @!p0 .LBB2_2-.Ltmp0, $4  }
0x19: {  	s12 =	sadd.s32 s14, s13;
	[sflag:s11] =	ssyncadd.s32 $0xFFFFE800  }
0x1a: {  	[hbm4b:s12+s2] =	stream.linear.scatter [tilespmem:s7], [sflag:$0x2], $0x4800, $0x38;
	[tilespmem:$0x4920] =	vst v63  }
0x1b: {  	_ =	swait.ge [sflag:s3], $0x4800  }
0x1c: {  	s13 =	sadd.s32 $0xFFFFFFFF, s31;
	[sflag:s3] =	ssyncset.done $0x0  }
.LBB2_1:
0x1d: {  	p0 =	sne.s32 s13, $0x1;
	s13 =	sadd.s32 $0xFFFFFFFF, s13;
	[sflag:s3] =	ssyncadd.s32 $0xFFFFB800  }
0x1e: {  	[tilespmem:s2], [sflag:$0x2] =	stream.linear.gather [hbm4b:s4+s2], $0x120, $0x38;
	[tilespmem:$0x4920] =	vst v63  }
0x1f: {  	_ =	swait.ge [sflag:s3], $0x120  }
0x20: {  	[sflag:s3] =	ssyncset.done $0x0  }
0x21: {  	[sflag:s3] =	ssyncadd.s32 $0xFFFFFEE0  }
0x22: {  	[tilespmem:s7], [sflag:$0x1] =	stream.indirect.gather [hbm4b:s5+s6], $0x40, s2, s6, $0xb8;
	[tilespmem:$0x4920] =	vst v63  }
0x23: {  	_ = 	snop  }
0x24: {  	[tilespmem:s8], [sflag:$0x1] =	stream.indirect.gather [hbm4b:s5+s6], $0x40, s6, s6, $0xb8;
	[tilespmem:$0x4920] =	vst v63  }
0x25: {  	_ = 	snop  }
0x26: {  	[tilespmem:s10], [sflag:$0x1] =	stream.indirect.gather [hbm4b:s5+s6], $0x40, s9, s6, $0xb8;
	[tilespmem:$0x4920] =	vst v63  }
0x27: {  	_ =	swait.ge [sflag:s11], $0x1800  }
0x28: {  	[sflag:s11] =	ssyncset.done $0x0  }
0x29: {  	[sflag:s11] =	ssyncadd.s32 $0xFFFFE800  }
0x2a: {  	_ =	swait.ge [sflag:s11], $0x1800  }
0x2b: {  	[sflag:s11] =	ssyncset.done $0x0  }
0x2c: {  	[sflag:s11] =	ssyncadd.s32 $0xFFFFE800  }
0x2d: {  	_ =	swait.ge [sflag:s11], $0x1800  }
.Ltmp1:
0x2e: {  	[sflag:s11] =	ssyncset.done $0x0;
	(pc) =	sbr.rel @p0 .LBB2_1-.Ltmp1, $4  }
0x2f: {  	[sflag:s11] =	ssyncadd.s32 $0xFFFFE800  }
0x30: {  	[hbm4b:s12+s2] =	stream.linear.scatter [tilespmem:s7], [sflag:$0x2], $0x4800, $0x38;
	[tilespmem:$0x4920] =	vst v63  }
0x31: {  	_ =	swait.ge [sflag:s3], $0x4800  }
0x32: {  	[sflag:s3] =	ssyncset.done $0x0  }
.LBB2_2:
0x33: {  	[sflag:s3] =	ssyncadd.s32 $0xFFFFB800  }
0x34: {  	_ =	sfence.sel $0x180000  }
0x35: {  	[bflag:$0x0] =	sbarrier.arrive $0xFFFF  }
0x36: {  	p0 =	sne.s32 s0, $0x0;
	_ =	strace $0x90000047  }
0x37: {  	s0 =	sadd.s32 @!p0 $0x100000, s1;
	[bflag:$0x2] =	sbarrier.arrive $0xFFFF  }
0x38: {  	[sflag:s0] =	ssyncadd.tile.s32 @!p0 $0x1;
	_ =	shalt  }
.Lfunc_end2:
_tile_overlayer_lowered:
.L_overlay_start_2:
0x39: {  	(tag) =	ssettag $0x2  }
0x3a: {  	s0 =	rddreg [dreg:$0x0];
	s2 =	stileid.u32  }
0x3b: {  	s1 =	rddreg [dreg:$0x1];
	p0 =	sne.s32 s2, $0x0  }
0x3c: {  	s3 =	rddreg [dreg:$0x2];
	[bflag:$0x3] =	sbarrier.arrive $0xFFFF;
	s2 =	simm.s32 @!p0 $0x1C02  }
0x3d: {  	[timem:s3], [sflag:s2] =	dma.local @!p0 [hbm:s0], s1  }
0x3e: {  	s0 =	simm.s32 @!p0 $0x2  }
0x3f: {  	_ =	swait.ge @!p0 [sflag:s0], s1  }
0x40: {  	s1 =	ssub.s32 @!p0 $0x0, s1;
	[sflag:s0] =	ssyncset.done @!p0 $0x0  }
0x41: {  	[sflag:s0] =	ssyncadd.s32 @!p0 s1  }
0x42: {  	[bflag:$0x3] =	sbarrier.arrive $0xFFFF  }
0x43: {  	_ =	shalt  }

</sc_bundles>
